<compile_context>
chip_gen: v7x
topology: tpu7x:2x2x1
jax: 0.10.2.dev20260603
libtpu: 0.0.44.dev20260713+nightly
codegen_flags: <defaults>
</compile_context>

<pallas_src>
import jax
import jax.numpy as jnp
from jax import lax
from jax.experimental import pallas as pl
from jax.experimental.pallas import tpu as pltpu
from jax.experimental.pallas import tpu_sc as plsc

M, P, C_IN, C_OUT = 40000, 32, 4, 64
LANES = P * C_IN
KAUG = LANES + 8
WIDE = P * C_OUT
BM = 4000
NB = M // BM
EPS = 1e-5


SC_NW = 32
MPAD = 40960
SC_CH = MPAD // SC_NW
SC_L = 16


def _sc_counts_kernel(n_hbm, inv_hbm, part_hbm, nbuf, invbuf, accbuf):
    wid = lax.axis_index("s") * 2 + lax.axis_index("c")
    base = wid * SC_CH
    pltpu.sync_copy(n_hbm.at[pl.ds(base, SC_CH)], nbuf)

    def body(j, acc):
        v = nbuf[pl.ds(j * SC_L, SC_L)]
        cnt = jnp.clip(v, 0.0, float(P))
        inv = jnp.where(cnt > 0.0, 1.0 / jnp.maximum(cnt, 1.0), 0.0)
        invbuf[pl.ds(j * SC_L, SC_L)] = inv
        return acc + cnt

    acc = lax.fori_loop(0, SC_CH // SC_L, body,
                        jnp.zeros((SC_L,), jnp.float32))
    accbuf[...] = acc
    pltpu.sync_copy(invbuf, inv_hbm.at[pl.ds(base, SC_CH)])
    pltpu.sync_copy(accbuf, part_hbm.at[wid])


@jax.jit
def _sc_counts(npadded):
    return pl.kernel(
        _sc_counts_kernel,
        mesh=plsc.VectorSubcoreMesh(core_axis_name="c", subcore_axis_name="s"),
        out_type=[
            jax.ShapeDtypeStruct((MPAD,), jnp.float32),
            jax.ShapeDtypeStruct((SC_NW, SC_L), jnp.float32),
        ],
        scratch_types=[
            pltpu.VMEM((SC_CH,), jnp.float32),
            pltpu.VMEM((SC_CH,), jnp.float32),
            pltpu.VMEM((SC_L,), jnp.float32),
        ],
    )(npadded)


def _vfe_kernel(x_ref, n_ref, inv_ref, part_ref, w_ref, wbig_ref,
                sel_ref, selt_ref, e_ref, bd_ref, b_ref, gamma_ref,
                beta_ref, out_ref,
                g_acc, s_acc, xc_ref, w2_ref, rt_ref):
    ph = pl.program_id(0)
    i = pl.program_id(1)

    n = n_ref[:]
    count = jnp.clip(n, 0.0, float(P))

    @pl.when(jnp.logical_and(ph == 0, i == 0))
    def _init():
        g_acc[:] = jnp.zeros_like(g_acc)
        s_acc[:] = jnp.zeros_like(s_acc)

    @pl.when(ph == 0)
    def _accumulate():
        pidx = (lax.broadcasted_iota(jnp.int32, (BM, LANES), 1) // C_IN
                ).astype(jnp.float32)
        xm = jnp.where(pidx < n, x_ref[:], 0.0)
        g_acc[:] += lax.dot_general(
            xm, xm, (((0,), (0,)), ((), ())),
            preferred_element_type=jnp.float32)
        s_acc[:] += jnp.sum(xm, axis=0, keepdims=True)
        row = pl.ds(i * BM, BM)
        xc_ref[row, :LANES] = xm.astype(jnp.bfloat16)
        ones_col = jnp.where(
            lax.broadcasted_iota(jnp.int32, (BM, 8), 1) == 0, 1.0, 0.0)
        xc_ref[row, LANES:] = ones_col.astype(jnp.bfloat16)

    @pl.when(jnp.logical_and(ph == 1, i == 0))
    def _finalize_stats():
        cnt = jnp.sum(part_ref[:])
        nv = jnp.maximum(cnt, 1.0)
        gm = g_acc[:] * bd_ref[:]
        sxx = jnp.dot(
            lax.dot_general(e_ref[:], gm, (((0,), (0,)), ((), ())),
                            preferred_element_type=jnp.float32),
            e_ref[:], preferred_element_type=jnp.float32)
        s4 = jnp.dot(s_acc[:], e_ref[:],
                     preferred_element_type=jnp.float32)
        sw = jnp.dot(s4, w_ref[:],
                     preferred_element_type=jnp.float32)
        bvec = b_ref[:]
        mean = (sw + cnt * bvec) / nv
        t4 = jnp.dot(sxx, w_ref[:],
                     preferred_element_type=jnp.float32)
        q = (jnp.sum(w_ref[:] * t4, axis=0, keepdims=True)
             + 2.0 * bvec * sw + cnt * bvec * bvec)
        var = q / nv - mean * mean
        scale = gamma_ref[:] * lax.rsqrt(var + EPS)
        shift = beta_ref[:] - mean * scale
        tb = scale * bvec + shift
        tbh = tb.astype(jnp.bfloat16).astype(jnp.float32)
        rt_ref[:] = jnp.maximum(tbh, 0.0)
        s2048 = jnp.dot(scale, selt_ref[:],
                        preferred_element_type=jnp.float32)
        t2048 = jnp.dot(tb, selt_ref[:],
                        preferred_element_type=jnp.float32)
        w2_ref[:LANES, :] = (wbig_ref[:] * s2048).astype(jnp.bfloat16)
        trow = jnp.where(
            lax.broadcasted_iota(jnp.int32, (8, WIDE), 0) == 0,
            t2048, 0.0)
        w2_ref[LANES:, :] = trow.astype(jnp.bfloat16)

    @pl.when(ph == 1)
    def _emit():
        xc = xc_ref[pl.ds(i * BM, BM), :]
        act = jnp.maximum(
            jnp.dot(xc, w2_ref[:], preferred_element_type=jnp.float32),
            0.0)
        summed = jnp.dot(act.astype(jnp.bfloat16), sel_ref[:],
                         preferred_element_type=jnp.float32)
        summed = summed - (float(P) - count) * rt_ref[:]
        out_ref[:] = summed * inv_ref[:]


@jax.jit
def _vfe(x2d, nf, inv2d, part, w, wbig, sel, selt, e, bd, b2, gamma2,
         beta2):
    return pl.pallas_call(
        _vfe_kernel,
        grid=(2, NB),
        in_specs=[
            pl.BlockSpec((BM, LANES), lambda ph, i: ((1 - ph) * i, 0)),
            pl.BlockSpec((BM, 1), lambda ph, i: (i, 0)),
            pl.BlockSpec((BM, 1), lambda ph, i: (i, 0)),
            pl.BlockSpec((SC_NW, SC_L), lambda ph, i: (0, 0)),
            pl.BlockSpec((C_IN, C_OUT), lambda ph, i: (0, 0)),
            pl.BlockSpec((LANES, WIDE), lambda ph, i: (0, 0)),
            pl.BlockSpec((WIDE, C_OUT), lambda ph, i: (0, 0)),
            pl.BlockSpec((C_OUT, WIDE), lambda ph, i: (0, 0)),
            pl.BlockSpec((LANES, C_IN), lambda ph, i: (0, 0)),
            pl.BlockSpec((LANES, LANES), lambda ph, i: (0, 0)),
            pl.BlockSpec((1, C_OUT), lambda ph, i: (0, 0)),
            pl.BlockSpec((1, C_OUT), lambda ph, i: (0, 0)),
            pl.BlockSpec((1, C_OUT), lambda ph, i: (0, 0)),
        ],
        out_specs=pl.BlockSpec((BM, C_OUT), lambda ph, i: (ph * i, 0)),
        out_shape=jax.ShapeDtypeStruct((M, C_OUT), jnp.float32),
        scratch_shapes=[
            pltpu.VMEM((LANES, LANES), jnp.float32),
            pltpu.VMEM((1, LANES), jnp.float32),
            pltpu.VMEM((M, KAUG), jnp.bfloat16),
            pltpu.VMEM((KAUG, WIDE), jnp.bfloat16),
            pltpu.VMEM((1, C_OUT), jnp.float32),
        ],
    )(x2d, nf, inv2d, part, w, wbig, sel, selt, e, bd, b2, gamma2, beta2)


def kernel(voxel_features, voxel_num_points, W, b, gamma, beta):
    x2d = voxel_features.reshape(M, LANES)
    n1 = jnp.asarray(voxel_num_points).astype(jnp.float32)
    nf = n1.reshape(M, 1)
    npadded = jnp.concatenate(
        [n1, jnp.zeros((MPAD - M,), jnp.float32)])
    inv_full, part = _sc_counts(npadded)
    inv2d = inv_full[:M].reshape(M, 1)
    eye_p = jnp.eye(P, dtype=jnp.float32)
    wbig = jnp.kron(eye_p, W)
    self32 = jnp.kron(jnp.ones((P, 1), jnp.float32),
                      jnp.eye(C_OUT, dtype=jnp.float32))
    sel = self32.astype(jnp.bfloat16)
    selt = self32.T
    e = jnp.tile(jnp.eye(C_IN, dtype=jnp.float32), (P, 1))
    bd = jnp.kron(eye_p, jnp.ones((C_IN, C_IN), jnp.float32))
    return _vfe(x2d, nf, inv2d, part, W, wbig, sel, selt, e, bd,
                b.reshape(1, C_OUT), gamma.reshape(1, C_OUT),
                beta.reshape(1, C_OUT))

# --- scband reference (transcript-rebuilt; emitter-appended) ---
"""Pipeline reference for scband-voxel-feature-extractor-45784351375623 (READ-ONLY COPY).

The authoritative reference and input builder live on the scoring server;
editing this copy changes nothing except your own understanding.
"""

import jax, jax.numpy as jnp
import numpy as np

M, P, C_IN, C_OUT = 40000, 32, 4, 64

def setup_inputs(seed: int = 0) -> dict:
    key = jax.random.key(seed)
    k1, k2, k3, k4 = jax.random.split(key, 4)
    voxel_features = jax.random.normal(k1, (M, P, C_IN), dtype=jnp.float32)
    voxel_num_points = jax.random.randint(k2, (M,), 0, 32)
    # VFE layer parameters (nn.Linear(4, 64) + BatchNorm1d(64))
    bound = 1.0 / np.sqrt(C_IN)
    W = jax.random.uniform(k3, (C_IN, C_OUT), dtype=jnp.float32, minval=-bound, maxval=bound)
    b = jax.random.uniform(k4, (C_OUT,), dtype=jnp.float32, minval=-bound, maxval=bound)
    gamma = jnp.ones((C_OUT,), dtype=jnp.float32)
    beta = jnp.zeros((C_OUT,), dtype=jnp.float32)
    return {"voxel_features": voxel_features, "voxel_num_points": voxel_num_points,
            "W": W, "b": b, "gamma": gamma, "beta": beta}

def reference(voxel_features, voxel_num_points, W, b, gamma, beta):
    # Faithful translation of VoxelFeatureEncodingLayer.forward (training-mode BN),
    # expressed as a masked computation instead of boolean-gather so it jits cleanly.
    Mv, Pv, _ = voxel_features.shape
    mask = jnp.arange(Pv)[None, :] < voxel_num_points[:, None]          # (M, P)
    maskf = mask[..., None].astype(jnp.float32)                          # (M, P, 1)
    # linear on valid points (invalid contributions masked out everywhere below)
    lin = voxel_features @ W + b                                         # (M, P, C_out)
    # BatchNorm1d over the flattened set of valid points (biased variance, like torch training)
    n_valid = jnp.maximum(jnp.sum(maskf), 1.0)
    mean = jnp.sum(lin * maskf, axis=(0, 1)) / n_valid                   # (C_out,)
    var = jnp.sum(((lin - mean) ** 2) * maskf, axis=(0, 1)) / n_valid    # (C_out,)
    eps = 1e-5
    normed = (lin - mean) / jnp.sqrt(var + eps) * gamma + beta
    act = jax.nn.relu(normed) * maskf                                    # zero invalid slots
    # per-voxel mean over valid points (segment-mean); voxels with 0 points -> zeros
    count = jnp.sum(mask, axis=1).astype(jnp.float32)                    # (M,)
    summed = jnp.sum(act, axis=1)                                        # (M, C_out)
    out = summed / jnp.maximum(count, 1.0)[:, None]
    out = jnp.where(count[:, None] > 0, out, jnp.zeros_like(out))
    return out

if __name__ == "__main__":
    import jax
    _d = setup_inputs()
    print(jax.jit(kernel)(*tuple(_d.values())))

</pallas_src>

<mosaic_0001>
#map = affine_map<(d0, d1) -> (0)>
#map1 = affine_map<(d0, d1) -> (0, 0)>
module attributes {stable_mosaic.version = 14 : i64} {
  func.func @_sc_counts_kernel(%arg0: i32, %arg1: i32, %arg2: memref<40960xf32, #tpu.memory_space<hbm>>, %arg3: memref<40960xf32, #tpu.memory_space<hbm>>, %arg4: memref<32x16xf32, #tpu.memory_space<hbm>>, %arg5: memref<1280xf32, #tpu.memory_space<vmem>>, %arg6: memref<1280xf32, #tpu.memory_space<vmem>>, %arg7: memref<16xf32, #tpu.memory_space<vmem>>) attributes {dimension_semantics = [#tpu.dimension_semantics<core_parallel>, #tpu.dimension_semantics<subcore_parallel>], iteration_bounds = array<i64: 2, 16>, scalar_prefetch = 0 : i64, scratch_operands = 3 : i64, tpu.core_type = #tpu.core_type<sc_vector_subcore>, window_params = [{transform_indices = #map}, {transform_indices = #map}, {transform_indices = #map1}]} {
    %mul3A = arith.constant 2 : i32
    %mul3A_0 = arith.muli %arg1, %mul3A : i32
    %add3A = arith.addi %mul3A_0, %arg0 : i32
    %mul3A_1 = arith.constant 1280 : i32
    %mul3A_2 = arith.muli %add3A, %mul3A_1 : i32
    "tpu.region"() ({
      %run_scoped3A = tpu.sem_alloc : memref<!tpu.dma_semaphore, #tpu.memory_space<semaphore_mem>>
      %dma_start3A = tpu.memref_slice %arg2[%mul3A_2] : memref<40960xf32, #tpu.memory_space<hbm>> -> memref<1280xf32, #tpu.memory_space<hbm>>
      %dma_start3A_12 = tpu.memref_slice %arg2[%mul3A_2] : memref<40960xf32, #tpu.memory_space<hbm>> -> memref<1280xf32, #tpu.memory_space<hbm>>
      tpu.enqueue_dma source(%dma_start3A_12 : memref<1280xf32, #tpu.memory_space<hbm>>) target(%arg5 : memref<1280xf32, #tpu.memory_space<vmem>>) target_semaphore(%run_scoped3A : memref<!tpu.dma_semaphore, #tpu.memory_space<semaphore_mem>>)
      %dma_wait3A = tpu.memref_slice %arg2[%mul3A_2] : memref<40960xf32, #tpu.memory_space<hbm>> -> memref<1280xf32, #tpu.memory_space<hbm>>
      %dma_wait3A_13 = tpu.memref_slice %arg2[%mul3A_2] : memref<40960xf32, #tpu.memory_space<hbm>> -> memref<1280xf32, #tpu.memory_space<hbm>>
      tpu.wait_dma2 semaphore(%run_scoped3A : memref<!tpu.dma_semaphore, #tpu.memory_space<semaphore_mem>>) src(%dma_wait3A_13 : memref<1280xf32, #tpu.memory_space<hbm>>) dst(%arg5 : memref<1280xf32, #tpu.memory_space<vmem>>)
      tpu.yield
    }) : () -> ()
    %broadcast_in_dim3A = arith.constant 0.000000e+00 : f32
    %broadcast_in_dim3A_3 = vector.broadcast %broadcast_in_dim3A : f32 to vector<16xf32>
    %scan3A = arith.constant 0 : i32
    %scan3A_4 = arith.constant 80 : i32
    %scan3A_5 = arith.addi %scan3A, %scan3A_4 : i32
    %scan3A_6 = arith.constant 1 : i32
    %scan3A_7 = scf.for %scan3A_12 = %scan3A to %scan3A_5 step %scan3A_6 iter_args(%scan3A_13 = %broadcast_in_dim3A_3) -> (vector<16xf32>)  : i32 {
      %mul3A_14 = arith.constant 16 : i32
      %mul3A_15 = arith.muli %scan3A_12, %mul3A_14 : i32
      %get3A = arith.index_cast %mul3A_15 : i32 to index
      %get3A_16 = tpu.vector_load %arg5[%get3A] {strides = array<i32>} : memref<1280xf32, #tpu.memory_space<vmem>>, vector<16xf32>,
      %get3A_17 = vector.shape_cast %get3A_16 : vector<16xf32> to vector<16xf32>
      %jit3A = arith.constant 0.000000e+00 : f32
      %jit3A_18 = arith.constant 3.200000e+01 : f32
      %max3A = vector.broadcast %jit3A : f32 to vector<16xf32>
      %max3A_19 = arith.maximumf %max3A, %get3A_17 : vector<16xf32>
      %min3A = vector.broadcast %jit3A_18 : f32 to vector<16xf32>
      %min3A_20 = arith.minimumf %min3A, %max3A_19 : vector<16xf32>
      %gt3A = arith.constant 0.000000e+00 : f32
      %gt3A_21 = vector.broadcast %gt3A : f32 to vector<16xf32>
      %gt3A_22 = arith.cmpf ogt, %min3A_20, %gt3A_21 : vector<16xf32>
      %max3A_23 = arith.constant 1.000000e+00 : f32
      %max3A_24 = vector.broadcast %max3A_23 : f32 to vector<16xf32>
      %max3A_25 = arith.maximumf %min3A_20, %max3A_24 : vector<16xf32>
      %div3A = arith.constant 1.000000e+00 : f32
      %div3A_26 = vector.broadcast %div3A : f32 to vector<16xf32>
      %div3A_27 = arith.divf %div3A_26, %max3A_25 : vector<16xf32>
      %jit3A_28 = arith.constant 0.000000e+00 : f32
      %broadcast_in_dim3A_29 = vector.broadcast %jit3A_28 : f32 to vector<16xf32>
      %select_n3A = arith.select %gt3A_22, %div3A_27, %broadcast_in_dim3A_29 : vector<16xi1>, vector<16xf32>
      %mul3A_30 = arith.constant 16 : i32
      %mul3A_31 = arith.muli %scan3A_12, %mul3A_30 : i32
      %swap3A_32 = arith.index_cast %mul3A_31 : i32 to index
      %swap3A_33 = tpu.vector_load %arg6[%swap3A_32] {strides = array<i32>} : memref<1280xf32, #tpu.memory_space<vmem>>, vector<16xf32>,
      %swap3A_34 = vector.shape_cast %swap3A_33 : vector<16xf32> to vector<16xf32>
      %swap3A_35 = vector.shape_cast %select_n3A : vector<16xf32> to vector<16xf32>
      tpu.vector_store %arg6[%swap3A_32], %swap3A_35 {strides = array<i32>} : memref<1280xf32, #tpu.memory_space<vmem>>, vector<16xf32>,
      %add3A_36 = arith.addf %scan3A_13, %min3A_20 : vector<16xf32>
      scf.yield %add3A_36 : vector<16xf32>
    }
    %scan3A_8 = arith.constant 80 : i32
    %swap3A = arith.constant 0 : index
    %swap3A_9 = tpu.vector_load %arg7[%swap3A] {strides = array<i32>} : memref<16xf32, #tpu.memory_space<vmem>>, vector<16xf32>,
    %swap3A_10 = vector.shape_cast %swap3A_9 : vector<16xf32> to vector<16xf32>
    %swap3A_11 = vector.shape_cast %scan3A_7 : vector<16xf32> to vector<16xf32>
    tpu.vector_store %arg7[%swap3A], %swap3A_11 {strides = array<i32>} : memref<16xf32, #tpu.memory_space<vmem>>, vector<16xf32>,
    "tpu.region"() ({
      %run_scoped3A = tpu.sem_alloc : memref<!tpu.dma_semaphore, #tpu.memory_space<semaphore_mem>>
      %dma_start3A = tpu.memref_slice %arg3[%mul3A_2] : memref<40960xf32, #tpu.memory_space<hbm>> -> memref<1280xf32, #tpu.memory_space<hbm>>
      %dma_start3A_12 = tpu.memref_slice %arg3[%mul3A_2] : memref<40960xf32, #tpu.memory_space<hbm>> -> memref<1280xf32, #tpu.memory_space<hbm>>
      tpu.enqueue_dma source(%arg6 : memref<1280xf32, #tpu.memory_space<vmem>>) target(%dma_start3A_12 : memref<1280xf32, #tpu.memory_space<hbm>>) target_semaphore(%run_scoped3A : memref<!tpu.dma_semaphore, #tpu.memory_space<semaphore_mem>>)
      %dma_wait3A = tpu.memref_slice %arg3[%mul3A_2] : memref<40960xf32, #tpu.memory_space<hbm>> -> memref<1280xf32, #tpu.memory_space<hbm>>
      %dma_wait3A_13 = tpu.memref_slice %arg3[%mul3A_2] : memref<40960xf32, #tpu.memory_space<hbm>> -> memref<1280xf32, #tpu.memory_space<hbm>>
      tpu.wait_dma2 semaphore(%run_scoped3A : memref<!tpu.dma_semaphore, #tpu.memory_space<semaphore_mem>>) src(%arg6 : memref<1280xf32, #tpu.memory_space<vmem>>) dst(%dma_wait3A_13 : memref<1280xf32, #tpu.memory_space<hbm>>)
      tpu.yield
    }) : () -> ()
    "tpu.region"() ({
      %run_scoped3A = tpu.sem_alloc : memref<!tpu.dma_semaphore, #tpu.memory_space<semaphore_mem>>
      %dma_start3A = arith.constant 0 : i32
      %dma_start3A_12 = tpu.memref_slice %arg4[%add3A, %dma_start3A] : memref<32x16xf32, #tpu.memory_space<hbm>> -> memref<1x16xf32, #tpu.memory_space<hbm>>
      %dma_start3A_13 = tpu.memref_squeeze %dma_start3A_12 : memref<1x16xf32, #tpu.memory_space<hbm>> -> memref<16xf32, #tpu.memory_space<hbm>>
      %dma_start3A_14 = arith.constant 0 : i32
      %dma_start3A_15 = tpu.memref_slice %arg4[%add3A, %dma_start3A_14] : memref<32x16xf32, #tpu.memory_space<hbm>> -> memref<1x16xf32, #tpu.memory_space<hbm>>
      %dma_start3A_16 = tpu.memref_squeeze %dma_start3A_15 : memref<1x16xf32, #tpu.memory_space<hbm>> -> memref<16xf32, #tpu.memory_space<hbm>>
      tpu.enqueue_dma source(%arg7 : memref<16xf32, #tpu.memory_space<vmem>>) target(%dma_start3A_16 : memref<16xf32, #tpu.memory_space<hbm>>) target_semaphore(%run_scoped3A : memref<!tpu.dma_semaphore, #tpu.memory_space<semaphore_mem>>)
      %dma_wait3A = arith.constant 0 : i32
      %dma_wait3A_17 = tpu.memref_slice %arg4[%add3A, %dma_wait3A] : memref<32x16xf32, #tpu.memory_space<hbm>> -> memref<1x16xf32, #tpu.memory_space<hbm>>
      %dma_wait3A_18 = tpu.memref_squeeze %dma_wait3A_17 : memref<1x16xf32, #tpu.memory_space<hbm>> -> memref<16xf32, #tpu.memory_space<hbm>>
      %dma_wait3A_19 = arith.constant 0 : i32
      %dma_wait3A_20 = tpu.memref_slice %arg4[%add3A, %dma_wait3A_19] : memref<32x16xf32, #tpu.memory_space<hbm>> -> memref<1x16xf32, #tpu.memory_space<hbm>>
      %dma_wait3A_21 = tpu.memref_squeeze %dma_wait3A_20 : memref<1x16xf32, #tpu.memory_space<hbm>> -> memref<16xf32, #tpu.memory_space<hbm>>
      tpu.wait_dma2 semaphore(%run_scoped3A : memref<!tpu.dma_semaphore, #tpu.memory_space<semaphore_mem>>) src(%arg7 : memref<16xf32, #tpu.memory_space<vmem>>) dst(%dma_wait3A_21 : memref<16xf32, #tpu.memory_space<hbm>>)
      tpu.yield
    }) : () -> ()
    return
  }
}

</mosaic_0001>

<sc_bundles>
// kernel: _sc_counts.3.cloned.1.call-start
scs
__scs_entry_jumppad:
0x0: {  	(pc) =	sbr.rel $0x88, $3  }
0x1: {  	(tag) =	ssettag $0x0;
	lr =	simm.s32 $0x1  }
0x2: {  	[smem:$0x3FA0] =	sst lr;
	_ =	strace $0xD0000000  }
0x3: {  	_ = 	snop  }
0x4: {  	_ = 	snop  }
0x5: {  	_ = 	snop  }
0x6: {  	_ = 	snop  }
0x7: {  	_ = 	snop  }
__scs_overlays_trampoline_lowered:
0x8: {  	[smem:$0x3FAF] =	sst s0  }
0x9: {  	[smem:$0x3FB0] =	sst s1  }
0xa: {  	[smem:$0x3FB1] =	sst s2  }
0xb: {  	[smem:$0x3FB2] =	sst s3  }
0xc: {  	[smem:$0x3FB3] =	sst s4  }
0xd: {  	[smem:$0x3FB4] =	sst s5  }
0xe: {  	[smem:$0x3FB5] =	sst s6  }
0xf: {  	[smem:$0x3FB6] =	sst s7  }
0x10: {  	[smem:$0x3FB7] =	sst s8  }
0x11: {  	[smem:$0x3FB8] =	sst s9;
	s0 =	simm.s32 @!p0 $0x0  }
0x12: {  	s1 =	sld [smem:$0x3F9E];
	s0 =	simm.s32 @p0 $0x1  }
0x13: {  	[smem:$0x3FB9] =	sst s0;
	s0 =	simm.s32 @!p1 $0x0  }
0x14: {  	s2 =	sld [smem:$0x3F9D];
	s0 =	simm.s32 @p1 $0x1  }
0x15: {  	[smem:$0x3FBA] =	sst s0;
	s0 =	simm.s32 @!p2 $0x0  }
0x16: {  	s3 =	sld [smem:$0x3FDB];
	s0 =	simm.s32 @p2 $0x1  }
0x17: {  	s4 =	simm.s32 $0x1BF5;
	[smem:$0x3FBC] =	sst s0  }
0x18: {  	s0 =	sld [smem:$0x3F9F];
	_ =	swait.ge [sflag:s4], $0x0  }
0x19: {  	s7 =	sld [smem:$0x3FA0]  }
0x1a: {  	s8 =	sadd.s32 $0xFFFFE003, lr  }
0x1b: {  	s9 =	sadd.s32 $0xFFFFFEF7, lr;
	s5 =	simm.s32 $0xFFFFFFFF;
	p2 =	slt.u32 s8, $0xFFFFF086  }
0x1c: {  	p1 =	slt.u32 s9, $0xF7A;
	s5 =	simm.s32 @!p2 $0x0  }
0x1d: {  	s5 =	simm.s32 @p1 $0x1;
	p0 =	seq.s32 s7, s2  }
0x1e: {  	s7 =	smul.u32 @!p0 $0xF7A, s2;
	p2 =	seq.s32 @!p0 s5, $0x0  }
0x1f: {  	s9 =	smul.u32 $0xF7A, s1;
	s8 =	simm.s32 @!p0 $0x1BF5;
	p2 =	por !p2, p0  }
0x20: {  	[sflag:s8] =	ssyncset.s32 @!p0 $0xFFFFF086;
	s6 =	sadd.s32 @!p0 s3, s7;
	s7 =	simm.s32 @!p0 $0x108  }
0x21: {  	s3 =	sadd.s32 s3, s9;
	s6 =	sadd.s32 @!p0 $0x88, s6;
	s7 =	simm.s32 @p2 $0x1082  }
0x22: {  	[simem:s7], [sflag:s8] =	dma.local @!p0 [hbm:s6], $0xF7A  }
0x23: {  	s9 =	sor.u32 $0xD0000000, s2;
	s6 =	simm.s32 $0x108;
	_ =	swait.ge @!p0 [sflag:s8], $0x0  }
0x24: {  	s3 =	sadd.s32 $0x88, s3;
	s6 =	simm.s32 @!p1 $0x1082;
	[sflag:s4] =	ssyncset.s32 $0xFFFFF086  }
0x25: {  	[simem:s6], [sflag:s4] =	dma.local [hbm:s3], $0xF7A  }
0x26: {  	[smem:$0x3FA0] =	sst s1;
	(tag) =	ssettag s2;
	_ =	strace s9  }
0x27: {  	s1 =	sld [smem:$0x3FB0]  }
0x28: {  	s2 =	sld [smem:$0x3FB1]  }
0x29: {  	s4 =	sld [smem:$0x3FB3]  }
0x2a: {  	p0 =	seq.s32 s5, $0x0;
	s5 =	sld [smem:$0x3FB4]  }
0x2b: {  	s6 =	sld [smem:$0x3FB5]  }
0x2c: {  	s7 =	sld [smem:$0x3FB6]  }
0x2d: {  	s3 =	simm.s32 $0x108;
	s8 =	sld [smem:$0x3FB7]  }
0x2e: {  	s3 =	simm.s32 @!p0 $0x1082;
	s9 =	sld [smem:$0x3FB8]  }
0x2f: {  	lr =	sadd.s32 s0, s3;
	s0 =	sld [smem:$0x3FAF]  }
0x30: {  	s3 =	sld [smem:$0x3FB2]  }
0x31: {  	[smem:$0x3FBB] =	sst s10  }
0x32: {  	s10 =	sld [smem:$0x3FB9];
	_ =	sdelay $0x3  }
0x33: {  	p0 =	seq.s32 s10, $0x1;
	s10 =	sld [smem:$0x3FBB];
	_ =	sdelay $0x3  }
0x34: {  	[smem:$0x3FBB] =	sst s10  }
0x35: {  	s10 =	sld [smem:$0x3FBA];
	_ =	sdelay $0x3  }
0x36: {  	p1 =	seq.s32 s10, $0x1;
	s10 =	sld [smem:$0x3FBB];
	_ =	sdelay $0x3  }
0x37: {  	[smem:$0x3FBB] =	sst s10  }
0x38: {  	s10 =	sld [smem:$0x3FBC]  }
0x39: {  	_ = 	snop;
	(pc) =	sbr.ind lr, $3  }
0x3a: {  	_ = 	snop  }
0x3b: {  	_ = 	snop  }
0x3c: {  	p2 =	seq.s32 s10, $0x1;
	s10 =	sld [smem:$0x3FBB]  }
0x3d: {  	_ =	shalt  }
0x3e: {  	_ =	shalt  }
0x3f: {  	_ =	shalt  }
0x40: {  	_ =	shalt  }
0x41: {  	_ =	shalt  }
0x42: {  	_ =	shalt  }
0x43: {  	_ =	shalt  }
0x44: {  	_ =	shalt  }
0x45: {  	_ =	shalt  }
0x46: {  	_ =	shalt  }
0x47: {  	_ =	shalt  }
0x48: {  	_ =	shalt  }
0x49: {  	_ =	shalt  }
0x4a: {  	_ =	shalt  }
0x4b: {  	_ =	shalt  }
0x4c: {  	_ =	shalt  }
0x4d: {  	_ =	shalt  }
0x4e: {  	_ =	shalt  }
0x4f: {  	_ =	shalt  }
0x50: {  	_ =	shalt  }
0x51: {  	_ =	shalt  }
0x52: {  	_ =	shalt  }
0x53: {  	_ =	shalt  }
0x54: {  	_ =	shalt  }
0x55: {  	_ =	shalt  }
0x56: {  	_ =	shalt  }
0x57: {  	_ =	shalt  }
0x58: {  	_ =	shalt  }
0x59: {  	_ =	shalt  }
0x5a: {  	_ =	shalt  }
0x5b: {  	_ =	shalt  }
0x5c: {  	_ =	shalt  }
0x5d: {  	_ =	shalt  }
0x5e: {  	_ =	shalt  }
0x5f: {  	_ =	shalt  }
0x60: {  	_ =	shalt  }
0x61: {  	_ =	shalt  }
0x62: {  	_ =	shalt  }
0x63: {  	_ =	shalt  }
0x64: {  	_ =	shalt  }
0x65: {  	_ =	shalt  }
0x66: {  	_ =	shalt  }
0x67: {  	_ =	shalt  }
0x68: {  	_ =	shalt  }
0x69: {  	_ =	shalt  }
0x6a: {  	_ =	shalt  }
0x6b: {  	_ =	shalt  }
0x6c: {  	_ =	shalt  }
0x6d: {  	_ =	shalt  }
0x6e: {  	_ =	shalt  }
0x6f: {  	_ =	shalt  }
0x70: {  	_ =	shalt  }
0x71: {  	_ =	shalt  }
0x72: {  	_ =	shalt  }
0x73: {  	_ =	shalt  }
0x74: {  	_ =	shalt  }
0x75: {  	_ =	shalt  }
0x76: {  	_ =	shalt  }
0x77: {  	_ =	shalt  }
0x78: {  	_ =	shalt  }
0x79: {  	_ =	shalt  }
0x7a: {  	_ =	shalt  }
0x7b: {  	_ =	shalt  }
0x7c: {  	_ =	shalt  }
0x7d: {  	_ =	shalt  }
0x7e: {  	_ =	shalt  }
0x7f: {  	_ =	shalt  }
0x80: {  	_ =	shalt  }
0x81: {  	_ =	shalt  }
0x82: {  	_ =	shalt  }
0x83: {  	_ =	shalt  }
0x84: {  	_ =	shalt  }
0x85: {  	_ =	shalt  }
0x86: {  	_ =	shalt  }
0x87: {  	_ =	shalt  }
.Lfunc_end0:
.L_simem_size_0:
called_computation_lowered:
.L_overlay_start_0:
0x88: {  	s2 =	sld [smem:$0x3FD9]  }
0x89: {  	s3 =	sld [smem:$0x3FFE];
	_ =	sdelay $0x1  }
0x8a: {  	s1 =	srdreg.scid  }
0x8b: {  	s0 =	sand.u32 $0x1, s1  }
0x8c: {  	s14 =	sshll.u32 s0, $0xA;
	s2 =	sadd.s32 s3, s2  }
0x8d: {  	s2 =	sadd.s32 s2, s14  }
0x8e: {  	[smem:$0x3FC7] =	sst s2  }
0x8f: {  	_ = 	snop  }
0x90: {  	s2 =	sld [smem:$0x3FD0];
	_ =	sdelay $0x2  }
0x91: {  	s4 =	simm.s32 $0xA;
	s5 =	simm.s32 $0x10;
	s15 =	sld [smem:$0x3FC9]  }
0x92: {  	[smem:s5], [sflag:s4] =	dma.local [hbm:s2], $0x1  }
0x93: {  	_ =	swait.eq [sflag:s4], $0x1  }
0x94: {  	[sflag:s4] =	ssyncset.done $0x0  }
0x95: {  	[sflag:s4] =	ssyncadd.s32 $0xFFFFFFFF  }
0x96: {  	s16 =	sld [smem:$0x10];
	(tm) =	ssettm $0x1  }
0x97: {  	s17 =	sld [smem:$0x3FFB];
	_ =	sdelay $0x3  }
0x98: {  	_ =	strace s17  }
0x99: {  	s4 =	sld [smem:$0x3FFC];
	_ =	sdelay $0x3  }
0x9a: {  	_ =	strace s4  }
0x9b: {  	s4 =	sld [smem:$0x3FFD];
	_ =	sdelay $0x3  }
0x9c: {  	_ =	strace s4  }
0x9d: {  	_ =	strace $0x8FFFFFFF  }
0x9e: {  	s18 =	sld [smem:$0x3FDB];
	_ =	sdelay $0x1  }
0x9f: {  	s19 =	simm.s32 $_scs_section_size  }
0xa0: {  	s6 =	simm.s32 $_size__tile_overlayer_lowered;
	s7 =	simm.s32 $_tile_overlayer_lowered  }
0xa1: {  	s22 =	simm.s32 $0x1BFF;
	s21 =	sshll.u32 s7, $0x1;
	s4 =	sadd.s32 s19, s18  }
0xa2: {  	s8 =	simm.s32 $0x0;
	s20 =	sshll.u32 s6, $0x1;
	s6 =	sadd.s32 s21, s4  }
0xa3: {  	[timem:s8], [sflag:s22] =	dma.local [hbm:s6], s20  }
0xa4: {  	_ =	swait.ge [sflag:s22], s20  }
0xa5: {  	s5 =	ssub.s32 $0x0, s20;
	[sflag:s22] =	ssyncset.done $0x0  }
0xa6: {  	[sflag:s22] =	ssyncadd.s32 s5;
	_ =	sdelay $0x1  }
0xa7: {  	s23 =	simm.s32 $0x1B8B  }
0xa8: {  	_ =	swait.ge [sflag:s23], $0x1  }
0xa9: {  	[sflag:s23] =	ssyncset.done $0x0  }
0xaa: {  	s25 =	simm.s32 $0x1B8E;
	s24 =	sld [smem:$0x3FFE];
	[sflag:s23] =	ssyncadd.s32 $0xFFFFFFFF  }
0xab: {  	s26 =	simm.s32 $execute0_lowered;
	[smem:$0x3FD2] =	sst s25  }
0xac: {  	s6 =	sshll.u32 s26, $0x1;
	_ =	strace $0x80000046;
	[dreg:$0x1] =	wrdreg $0xFFFFFFFF  }
0xad: {  	s28 =	simm.s32 $_size_execute0_lowered;
	s4 =	sadd.s32 s4, s6;
	[dreg:$0x0] =	wrdreg $0x0  }
0xae: {  	s6 =	sshll.u32 s28, $0x1;
	[dreg:$0x2] =	wrdreg s4  }
0xaf: {  	[dreg:$0x3] =	wrdreg s6  }
0xb0: {  	[dreg:$0x4] =	wrdreg $0xC0  }
0xb1: {  	_ =	task [dreg:s8], $0x5FFFF  }
0xb2: {  	[dreg:$0x1] =	wrdreg $0xFFFFFFFF  }
0xb3: {  	[dreg:$0x0] =	wrdreg $0x60  }
0xb4: {  	[dreg:$0x2] =	wrdreg s15  }
0xb5: {  	[dreg:$0x3] =	wrdreg s16  }
0xb6: {  	[dreg:$0x4] =	wrdreg s24  }
0xb7: {  	[dreg:$0x5] =	wrdreg $0x9  }
0xb8: {  	_ =	task.clear_ibuf [dreg:s8], $0x6FFFF;
	_ =	strace $0x90000046  }
0xb9: {  	s29 =	simm.s32 $0x9;
	_ =	strace $0x80000048  }
0xba: {  	_ =	swait.ge [sflag:s29], $0x1  }
0xbb: {  	[sflag:s29] =	ssyncadd.s32 $0xFFFFFFFF  }
0xbc: {  	_ =	strace $0x90000048  }
0xbd: {  	_ =	sfence  }
0xbe: {  	s30 =	sld [smem:$0x0];
	_ =	sdelay $0x2  }
0xbf: {  	s31 =	sshll.u32 s1, $0xD;
	s1 =	sshrl.u32 s1, $0x2  }
0xc0: {  	s3 =	sand.u32 $0x4000, s31;
	s1 =	sadd.s32 s1, s30  }
0xc1: {  	s0 =	sor.u32 s3, s0;
	s1 =	sshll.u32 s1, $0x11  }
0xc2: {  	s0 =	sor.u32 s1, s0  }
0xc3: {  	s0 =	sadd.s32 $0x8F2B, s0  }
0xc4: {  	[sflag:s0] =	ssyncadd.remote.s32 $0x1  }
0xc5: {  	_ =	sfence.sel $0xFFFF  }
0xc6: {  	[dreg:$0x0] =	wrdreg $0xFFFFFFFF;
	(pc) =	sbr.abs _section_cstart, $3  }
0xc7: {  	[dreg:$0x1] =	wrdreg $0xFFFFFFFF  }
0xc8: {  	_ =	task.clear_ibuf [dreg:s8], $0x2FFFF;
	_ =	strace $0x9FFFFFFF  }
0xc9: {  	(tm) =	ssettm $0x7FFFFFFF  }
tec
execute0_lowered:
.L_overlay_start_1:
0x0: {  	(tag) =	ssettag $0x1  }
0x1: {  	s3 =	rddreg [dreg:$0x0]  }
0x2: {  	s4 =	rddreg [dreg:$0x1]  }
0x3: {  	s5 =	rddreg [dreg:$0x2]  }
0x4: {  	s0 =	rddreg [dreg:$0x3];
	s6 =	srdreg.scid  }
0x5: {  	s1 =	stileid.u32;
	s2 =	simm.s32 $0x0;
	s9 =	simm.s32 $0xA00  }
0x6: {  	s10 =	simm.s32 $0x0;
	s6 =	sand.u32 $0x1, s6;
	s7 =	sshll.u32 s1, $0x1  }
0x7: {  	[smem:$0x7FF] =	sst s2;
	s7 =	sor.u32 s6, s7;
	s6 =	ssub.s32 $0x2, s6  }
0x8: {  	s8 =	sshll.u32 s7, $0x4;
	s7 =	smul.u32 $0xA0, s7;
	s31 =	sshrl.u32 s6, $0x1  }
0x9: {  	_ =	strace $0x80000047;
	s5 =	sadd.s32 s8, s5;
	s6 =	ssub.s32 s6, s31  }
0xa: {  	s8 =	simm.s32 $0x500;
	s3 =	sadd.s32 s3, s7;
	s4 =	sadd.s32 s4, s7  }
0xb: {  	s5 =	sadd.s32 $0x800, s5;
	s6 =	smax.u32 s6, $0x1;
	s7 =	simm.s32 $0x1  }
.LBB2_1:
0xc: {  	[tilespmem:s2], [sflag:$0x1] =	stream.linear.gather [hbm4b:s3+s2], $0x500, $0x38;
	[tilespmem:$0xA80] =	vst v63  }
0xd: {  	_ =	swait.ge [sflag:s7], $0x500  }
0xe: {  	[sflag:s7] =	ssyncset.done $0x0  }
0xf: {  	s12 =	simm.s32 $0x0;
	[sflag:s7] =	ssyncadd.s32 $0xFFFFFB00  }
0x10: {  	v0 =	vld [tilespmem:s12+$0x0]  }
0x11: {  	s11 =	simm.s32 $0x10  }
0x12: {  	v1 =	vld [tilespmem:s11+$0x0];
	_ =	sdelay $0x2  }
0x13: {  	v0 =	vmax.f32 v0, $0.0e+00  }
0x14: {  	v0 =	vmin.f32 v0, $3.200000000e+01  }
0x15: {  	v2 =	vimm.f32 $0.0e+00;
	v1 =	vmax.f32 v1, $0.0e+00;
	v3 =	vmax.f32 v0, $1.000000000e+00  }
0x16: {  	v4 =	vadd.f32 v0, v2;
	v2 =	vmin.f32 v1, $3.200000000e+01;
	(erf) = vrcp.f32 v3  }
0x17: {  	v5 =	vmax.f32 v2, $1.000000000e+00  }
0x18: {  	s13 =	simm.s32 $0x20;
	(erf) = vrcp.f32 v5  }
0x19: {  	s14 =	simm.s32 $0xC0;
	v3 =	vld [tilespmem:s13+$0x0];
	v1 =	vadd.f32 v2, v4  }
.LBB2_2:
0x1a: {  	_ =	sdelay $0x1  }
0x1b: {  	p0 =	sne.s32 s14, $0x13C0  }
.Ltmp0:
0x1c: {  	_ = 	snop;
	(pc) =	sbr.rel @p0 .LBB2_2-.Ltmp0, $4  }
0x1d: {  	v4 =	vmax.f32 v3, $0.0e+00  }
0x1e: {  	vm0 =	vgt.f32 v0, $0.0e+00;
	v5 =	vpop (erf);
	v0 =	vmov v2;
	v2 =	vmin.f32 v4, $3.200000000e+01  }
0x1f: {  	s15 =	sshra.s32 s14, $0x2;
	s14 =	sadd.s32 $0x40, s14;
	v4 =	vnsel vm0, $0x0, v5;
	v5 =	vmax.f32 v2, $1.000000000e+00  }
0x20: {  	v3 =	vld [tilespmem:s15+$0x0];
	v1 =	vadd.f32 v2, v1;
	[tilespmem:s12+$0x500] =	vst v4;
	s12 =	smov.u32 s11;
	s11 =	smov.u32 s13;
	s13 =	smov.u32 s15;
	(erf) = vrcp.f32 v5  }
0x21: {  	_ =	sdelay $0x3  }
0x22: {  	v3 =	vmax.f32 v3, $0.0e+00  }
0x23: {  	v3 =	vmin.f32 v3, $3.200000000e+01  }
0x24: {  	v4 =	vmax.f32 v3, $1.000000000e+00  }
0x25: {  	(erf) = vrcp.f32 v4;
	_ =	sdelay $0x6  }
0x26: {  	v59 =	vpop (erf);
	vm0 =	vgt.f32 v0, $0.0e+00  }
0x27: {  	vm14 =	vgt.f32 v2, $0.0e+00;
	v0 =	vnsel vm0, $0x0, v59;
	v60 =	vpop (erf)  }
0x28: {  	[tilespmem:s12+$0x500] =	vst v0;
	vm15 =	vgt.f32 v3, $0.0e+00;
	v61 =	vnsel vm14, $0x0, v60;
	v62 =	vpop (erf)  }
0x29: {  	v1 =	vadd.f32 v3, v1;
	[tilespmem:s11+$0x500] =	vst v61;
	v63 =	vnsel vm15, $0x0, v62  }
0x2a: {  	[tilespmem:s13+$0x500] =	vst v63  }
0x2b: {  	[tilespmem:$0xA00] =	vst v1  }
0x2c: {  	[hbm4b:s4+s2] =	stream.linear.scatter [tilespmem:s8], [sflag:$0x1], $0x500, $0x38;
	[tilespmem:$0xA80] =	vst v63  }
0x2d: {  	s10 =	sadd.s32 $0x1, s10;
	_ =	swait.ge [sflag:s7], $0x500  }
0x2e: {  	p0 =	sne.s32 s10, s6;
	[sflag:s7] =	ssyncset.done $0x0  }
.Ltmp1:
0x2f: {  	[sflag:s7] =	ssyncadd.s32 $0xFFFFFB00;
	(pc) =	sbr.rel @p0 .LBB2_1-.Ltmp1, $4  }
0x30: {  	[hbm4b:s5+s2] =	stream.linear.scatter [tilespmem:s9], [sflag:$0x1], $0x80, $0x38;
	[tilespmem:$0xA80] =	vst v63  }
0x31: {  	_ =	swait.ge [sflag:s7], $0x80  }
0x32: {  	[sflag:s7] =	ssyncset.done $0x0  }
0x33: {  	[sflag:s7] =	ssyncadd.s32 $0xFFFFFF80  }
0x34: {  	_ =	sfence.sel $0x180000  }
0x35: {  	[bflag:$0x0] =	sbarrier.arrive $0xFFFF  }
0x36: {  	p0 =	sne.s32 s1, $0x0;
	_ =	strace $0x90000047  }
0x37: {  	s0 =	sadd.s32 @!p0 $0x100000, s0;
	[bflag:$0x2] =	sbarrier.arrive $0xFFFF  }
0x38: {  	[sflag:s0] =	ssyncadd.tile.s32 @!p0 $0x1;
	_ =	shalt  }
.Lfunc_end2:
_tile_overlayer_lowered:
.L_overlay_start_2:
0x39: {  	(tag) =	ssettag $0x2  }
0x3a: {  	s0 =	rddreg [dreg:$0x0];
	s2 =	stileid.u32  }
0x3b: {  	s1 =	rddreg [dreg:$0x1];
	p0 =	sne.s32 s2, $0x0  }
0x3c: {  	s3 =	rddreg [dreg:$0x2];
	[bflag:$0x3] =	sbarrier.arrive $0xFFFF;
	s2 =	simm.s32 @!p0 $0x1C01  }
0x3d: {  	[timem:s3], [sflag:s2] =	dma.local @!p0 [hbm:s0], s1  }
0x3e: {  	s0 =	simm.s32 @!p0 $0x1  }
0x3f: {  	_ =	swait.ge @!p0 [sflag:s0], s1  }
0x40: {  	s1 =	ssub.s32 @!p0 $0x0, s1;
	[sflag:s0] =	ssyncset.done @!p0 $0x0  }
0x41: {  	[sflag:s0] =	ssyncadd.s32 @!p0 s1  }
0x42: {  	[bflag:$0x3] =	sbarrier.arrive $0xFFFF  }
0x43: {  	_ =	shalt  }

</sc_bundles>
